<compile_context>
chip_gen: v7x
topology: tpu7x:2x2x1
jax: 0.10.2.dev20260603
libtpu: 0.0.44.dev20260713+nightly
codegen_flags: <defaults>
</compile_context>

<pallas_src>
import jax
import jax.numpy as jnp
from jax.experimental import pallas as pl
from jax.experimental.pallas import tpu as pltpu

_B = 32
_C = 192
_H = 56
_W = 56
_N = _C * _H * _W
_K = int(round(_N * 0.1))
_LANES = 128
_ROWS = _N // _LANES
_BOOST_STRENGTH = 1.0
_S = 2
_NCHUNK = 12
_VREGS_PER_CHUNK = _ROWS // 8 // _NCHUNK


def _body(x_ref, bf_ref, out_ref, keys_ref):
    bf = bf_ref[...]
    for s in range(_S):
        boosted = x_ref[s] * bf
        i = jax.lax.bitcast_convert_type(boosted, jnp.int32)
        key = i ^ ((i >> 31) & jnp.int32(0x7FFFFFFF))
        keys_ref[s] = key.reshape(_NCHUNK, _VREGS_PER_CHUNK, 8, _LANES)

    def count_ge(s, mid):
        acc = None
        for g in range(_NCHUNK):
            m = jnp.where(keys_ref[s, g] >= mid, jnp.float32(1.0), jnp.float32(0.0))
            ps = jnp.sum(m, axis=0)
            acc = ps if acc is None else acc + ps
        return jnp.sum(acc)

    def step(_, carry):
        nxt = []
        for s in range(_S):
            lo, hi = carry[2 * s], carry[2 * s + 1]
            mid = (lo | hi) - ((lo ^ hi) >> 1)
            ok = count_ge(s, mid) >= jnp.float32(_K)
            nxt.append(jnp.where(ok, mid, lo))
            nxt.append(jnp.where(ok, hi, mid - jnp.int32(1)))
        return tuple(nxt)

    lo0 = jnp.int32(-(2 ** 31))
    hi0 = jnp.int32(2 ** 31 - 1)
    res = jax.lax.fori_loop(0, 32, step, (lo0, hi0) * _S)
    for s in range(_S):
        keys2d = keys_ref[s].reshape(_ROWS, _LANES)
        out_ref[s] = jnp.where(keys2d >= res[2 * s], x_ref[s], jnp.float32(0.0))


def kernel(x, dutyCycle):
    target_density = jnp.float32(float(_K) / float(_N))
    bf = jnp.exp((target_density - dutyCycle.reshape(_C)) * jnp.float32(_BOOST_STRENGTH))
    bf_full = jnp.repeat(bf, _H * _W).reshape(_ROWS, _LANES)
    xr = x.reshape(_B, _ROWS, _LANES)
    out = pl.pallas_call(
        _body,
        grid=(_B // _S,),
        in_specs=[
            pl.BlockSpec((_S, _ROWS, _LANES), lambda b: (b, 0, 0)),
            pl.BlockSpec((_ROWS, _LANES), lambda b: (0, 0)),
        ],
        out_specs=pl.BlockSpec((_S, _ROWS, _LANES), lambda b: (b, 0, 0)),
        out_shape=jax.ShapeDtypeStruct((_B, _ROWS, _LANES), jnp.float32),
        scratch_shapes=[
            pltpu.VMEM((_S, _NCHUNK, _VREGS_PER_CHUNK, 8, _LANES), jnp.int32)
        ],
    )(xr, bf_full)
    return out.reshape(_B, _C, _H, _W)

# --- scband reference (transcript-rebuilt; emitter-appended) ---
"""Pipeline reference for scband-kwinners2d-83983790506087 (READ-ONLY COPY).

The authoritative reference and input builder live on the scoring server;
editing this copy changes nothing except your own understanding.
"""

import jax, jax.numpy as jnp
import numpy as np

B = 32
CHANNELS = 192
H = 56
W = 56
PERCENT_ON = 0.1
BOOST_STRENGTH = 1.0
N_UNITS = CHANNELS * H * W
K = int(round(N_UNITS * PERCENT_ON))


def setup_inputs(seed: int = 0) -> dict:
    key = jax.random.key(seed)
    k1, k2 = jax.random.split(key)
    x = jax.random.normal(k1, (B, CHANNELS, H, W), dtype=jnp.float32)
    # dutyCycle is a registered buffer of shape (1, C, 1, 1); values in [0, 1)
    dutyCycle = jax.random.uniform(k2, (1, CHANNELS, 1, 1), dtype=jnp.float32)
    return {"x": x, "dutyCycle": dutyCycle}


def _kwinners2d(x, dutyCycle, k, boostStrength):
    b = x.shape[0]
    n = x.shape[1] * x.shape[2] * x.shape[3]
    # boosting: boosted = x * exp((targetDensity - dutyCycle) * boostStrength)
    targetDensity = float(k) / float(n)
    boostFactors = jnp.exp((targetDensity - dutyCycle) * boostStrength)
    boosted = jax.lax.stop_gradient(x) * boostFactors
    # top-k over the flattened (C*H*W) units per batch element
    flat_boosted = boosted.reshape(b, -1)
    _, idx = jax.lax.top_k(flat_boosted, k)
    # scatter: keep original x values at winner indices, zero elsewhere
    mask = jnp.zeros((b, n), dtype=x.dtype).at[jnp.arange(b)[:, None], idx].set(1.0)
    res = (x.reshape(b, -1) * mask).reshape(x.shape)
    return res


def reference(x, dutyCycle):
    return _kwinners2d(x, dutyCycle, K, BOOST_STRENGTH)

if __name__ == "__main__":
    import jax
    _d = setup_inputs()
    print(jax.jit(kernel)(*tuple(_d.values())))

</pallas_src>

<mosaic_0001>
module attributes {stable_mosaic.version = 14 : i64} {
  func.func @_body(%arg0: i32, %arg1: memref<2x4704x128xf32, #tpu.memory_space<vmem>>, %arg2: memref<4704x128xf32, #tpu.memory_space<vmem>>, %arg3: memref<2x4704x128xf32, #tpu.memory_space<vmem>>, %arg4: memref<2x12x49x8x128xi32, #tpu.memory_space<vmem>>) attributes {dimension_semantics = [#tpu.dimension_semantics<arbitrary>], iteration_bounds = array<i64: 16>, scalar_prefetch = 0 : i64, scratch_operands = 1 : i64, tpu.core_type = #tpu.core_type<tc>, window_params = [{transform_indices = @transform_0, window_bounds = array<i64: 2, 4704, 128>}, {pipeline_mode = #tpu.pipeline_mode<synchronous>, transform_indices = @transform_1, window_bounds = array<i64: 4704, 128>}, {transform_indices = @transform_2, window_bounds = array<i64: 2, 4704, 128>}]} {
    %get3A = arith.constant 0 : index
    %get3A_0 = arith.constant 0 : index
    %get3A_1 = vector.load %arg2[%get3A, %get3A_0] : memref<4704x128xf32, #tpu.memory_space<vmem>>, vector<4704x128xf32>
    %get3A_2 = arith.constant 0 : index
    %get3A_3 = arith.constant 0 : index
    %get3A_4 = arith.constant 0 : index
    %get3A_5 = vector.load %arg1[%get3A_2, %get3A_3, %get3A_4] : memref<2x4704x128xf32, #tpu.memory_space<vmem>>, vector<1x4704x128xf32>
    %get3A_6 = vector.shape_cast %get3A_5 : vector<1x4704x128xf32> to vector<4704x128xf32>
    %mul3A = arith.mulf %get3A_6, %get3A_1 : vector<4704x128xf32>
    %bitcast_convert_type3A = tpu.bitcast %mul3A : vector<4704x128xf32> -> vector<4704x128xi32>
    %shift_right_arithmetic3A = arith.constant 31 : i32
    %shift_right_arithmetic3A_7 = vector.broadcast %shift_right_arithmetic3A : i32 to vector<4704x128xi32>
    %shift_right_arithmetic3A_8 = arith.shrsi %bitcast_convert_type3A, %shift_right_arithmetic3A_7 : vector<4704x128xi32>
    %and3A = arith.constant 2147483647 : i32
    %and3A_9 = vector.broadcast %and3A : i32 to vector<4704x128xi32>
    %and3A_10 = arith.andi %shift_right_arithmetic3A_8, %and3A_9 : vector<4704x128xi32>
    %xor3A = arith.xori %bitcast_convert_type3A, %and3A_10 : vector<4704x128xi32>
    %reshape3A = vector.shape_cast %xor3A : vector<4704x128xi32> to vector<12x49x8x128xi32>
    %swap3A = arith.constant 0 : index
    %swap3A_11 = arith.constant 0 : index
    %swap3A_12 = arith.constant 0 : index
    %swap3A_13 = arith.constant 0 : index
    %swap3A_14 = arith.constant 0 : index
    %swap3A_15 = vector.load %arg4[%swap3A, %swap3A_11, %swap3A_12, %swap3A_13, %swap3A_14] : memref<2x12x49x8x128xi32, #tpu.memory_space<vmem>>, vector<1x12x49x8x128xi32>
    %swap3A_16 = vector.shape_cast %swap3A_15 : vector<1x12x49x8x128xi32> to vector<12x49x8x128xi32>
    %swap3A_17 = vector.shape_cast %reshape3A : vector<12x49x8x128xi32> to vector<1x12x49x8x128xi32>
    tpu.vector_store %arg4[%swap3A, %swap3A_11, %swap3A_12, %swap3A_13, %swap3A_14], %swap3A_17 {strides = array<i32>} : memref<2x12x49x8x128xi32, #tpu.memory_space<vmem>>, vector<1x12x49x8x128xi32>,
    %get3A_18 = arith.constant 1 : index
    %get3A_19 = arith.constant 0 : index
    %get3A_20 = arith.constant 0 : index
    %get3A_21 = vector.load %arg1[%get3A_18, %get3A_19, %get3A_20] : memref<2x4704x128xf32, #tpu.memory_space<vmem>>, vector<1x4704x128xf32>
    %get3A_22 = vector.shape_cast %get3A_21 : vector<1x4704x128xf32> to vector<4704x128xf32>
    %mul3A_23 = arith.mulf %get3A_22, %get3A_1 : vector<4704x128xf32>
    %bitcast_convert_type3A_24 = tpu.bitcast %mul3A_23 : vector<4704x128xf32> -> vector<4704x128xi32>
    %shift_right_arithmetic3A_25 = arith.constant 31 : i32
    %shift_right_arithmetic3A_26 = vector.broadcast %shift_right_arithmetic3A_25 : i32 to vector<4704x128xi32>
    %shift_right_arithmetic3A_27 = arith.shrsi %bitcast_convert_type3A_24, %shift_right_arithmetic3A_26 : vector<4704x128xi32>
    %and3A_28 = arith.constant 2147483647 : i32
    %and3A_29 = vector.broadcast %and3A_28 : i32 to vector<4704x128xi32>
    %and3A_30 = arith.andi %shift_right_arithmetic3A_27, %and3A_29 : vector<4704x128xi32>
    %xor3A_31 = arith.xori %bitcast_convert_type3A_24, %and3A_30 : vector<4704x128xi32>
    %reshape3A_32 = vector.shape_cast %xor3A_31 : vector<4704x128xi32> to vector<12x49x8x128xi32>
    %swap3A_33 = arith.constant 1 : index
    %swap3A_34 = arith.constant 0 : index
    %swap3A_35 = arith.constant 0 : index
    %swap3A_36 = arith.constant 0 : index
    %swap3A_37 = arith.constant 0 : index
    %swap3A_38 = vector.load %arg4[%swap3A_33, %swap3A_34, %swap3A_35, %swap3A_36, %swap3A_37] : memref<2x12x49x8x128xi32, #tpu.memory_space<vmem>>, vector<1x12x49x8x128xi32>
    %swap3A_39 = vector.shape_cast %swap3A_38 : vector<1x12x49x8x128xi32> to vector<12x49x8x128xi32>
    %swap3A_40 = vector.shape_cast %reshape3A_32 : vector<12x49x8x128xi32> to vector<1x12x49x8x128xi32>
    tpu.vector_store %arg4[%swap3A_33, %swap3A_34, %swap3A_35, %swap3A_36, %swap3A_37], %swap3A_40 {strides = array<i32>} : memref<2x12x49x8x128xi32, #tpu.memory_space<vmem>>, vector<1x12x49x8x128xi32>,
    %scan3A = arith.constant -2147483648 : i32
    %scan3A_41 = arith.constant 2147483647 : i32
    %scan3A_42 = arith.constant -2147483648 : i32
    %scan3A_43 = arith.constant 2147483647 : i32
    %scan3A_44 = arith.constant 0 : i32
    %scan3A_45 = arith.constant 32 : i32
    %scan3A_46 = arith.addi %scan3A_44, %scan3A_45 : i32
    %scan3A_47 = arith.constant 1 : i32
    %scan3A_48:4 = scf.for %scan3A_93 = %scan3A_44 to %scan3A_46 step %scan3A_47 iter_args(%scan3A_94 = %scan3A, %scan3A_95 = %scan3A_41, %scan3A_96 = %scan3A_42, %scan3A_97 = %scan3A_43) -> (i32, i32, i32, i32)  : i32 {
      %or3A = arith.ori %scan3A_94, %scan3A_95 : i32
      %xor3A_98 = arith.xori %scan3A_94, %scan3A_95 : i32
      %shift_right_arithmetic3A_99 = arith.constant 1 : i32
      %shift_right_arithmetic3A_100 = arith.shrsi %xor3A_98, %shift_right_arithmetic3A_99 : i32
      %sub3A = arith.subi %or3A, %shift_right_arithmetic3A_100 : i32
      %get3A_101 = arith.constant 0 : index
      %get3A_102 = arith.constant 0 : index
      %get3A_103 = arith.constant 0 : index
      %get3A_104 = arith.constant 0 : index
      %get3A_105 = arith.constant 0 : index
      %get3A_106 = vector.load %arg4[%get3A_101, %get3A_102, %get3A_103, %get3A_104, %get3A_105] : memref<2x12x49x8x128xi32, #tpu.memory_space<vmem>>, vector<1x1x49x8x128xi32>
      %get3A_107 = vector.shape_cast %get3A_106 : vector<1x1x49x8x128xi32> to vector<49x8x128xi32>
      %ge3A_108 = vector.broadcast %sub3A : i32 to vector<49x8x128xi32>
      %ge3A_109 = arith.cmpi sge, %get3A_107, %ge3A_108 : vector<49x8x128xi32>
      %jit3A_110 = arith.constant 1.000000e+00 : f32
      %jit3A_111 = arith.constant 0.000000e+00 : f32
      %broadcast_in_dim3A_112 = vector.broadcast %jit3A_110 : f32 to vector<49x8x128xf32>
      %broadcast_in_dim3A_113 = vector.broadcast %jit3A_111 : f32 to vector<49x8x128xf32>
      %select_n3A_114 = arith.select %ge3A_109, %broadcast_in_dim3A_112, %broadcast_in_dim3A_113 : vector<49x8x128xi1>, vector<49x8x128xf32>
      %reduce_sum3A = arith.constant dense<0.000000e+00> : vector<8x128xf32>
      %reduce_sum3A_115 = vector.multi_reduction <add>, %select_n3A_114, %reduce_sum3A [0] : vector<49x8x128xf32> to vector<8x128xf32>
      %get3A_116 = arith.constant 0 : index
      %get3A_117 = arith.constant 1 : index
      %get3A_118 = arith.constant 0 : index
      %get3A_119 = arith.constant 0 : index
      %get3A_120 = arith.constant 0 : index
      %get3A_121 = vector.load %arg4[%get3A_116, %get3A_117, %get3A_118, %get3A_119, %get3A_120] : memref<2x12x49x8x128xi32, #tpu.memory_space<vmem>>, vector<1x1x49x8x128xi32>
      %get3A_122 = vector.shape_cast %get3A_121 : vector<1x1x49x8x128xi32> to vector<49x8x128xi32>
      %ge3A_123 = vector.broadcast %sub3A : i32 to vector<49x8x128xi32>
      %ge3A_124 = arith.cmpi sge, %get3A_122, %ge3A_123 : vector<49x8x128xi32>
      %jit3A_125 = arith.constant 1.000000e+00 : f32
      %jit3A_126 = arith.constant 0.000000e+00 : f32
      %broadcast_in_dim3A_127 = vector.broadcast %jit3A_125 : f32 to vector<49x8x128xf32>
      %broadcast_in_dim3A_128 = vector.broadcast %jit3A_126 : f32 to vector<49x8x128xf32>
      %select_n3A_129 = arith.select %ge3A_124, %broadcast_in_dim3A_127, %broadcast_in_dim3A_128 : vector<49x8x128xi1>, vector<49x8x128xf32>
      %reduce_sum3A_130 = arith.constant dense<0.000000e+00> : vector<8x128xf32>
      %reduce_sum3A_131 = vector.multi_reduction <add>, %select_n3A_129, %reduce_sum3A_130 [0] : vector<49x8x128xf32> to vector<8x128xf32>
      %add3A = arith.addf %reduce_sum3A_115, %reduce_sum3A_131 : vector<8x128xf32>
      %get3A_132 = arith.constant 0 : index
      %get3A_133 = arith.constant 2 : index
      %get3A_134 = arith.constant 0 : index
      %get3A_135 = arith.constant 0 : index
      %get3A_136 = arith.constant 0 : index
      %get3A_137 = vector.load %arg4[%get3A_132, %get3A_133, %get3A_134, %get3A_135, %get3A_136] : memref<2x12x49x8x128xi32, #tpu.memory_space<vmem>>, vector<1x1x49x8x128xi32>
      %get3A_138 = vector.shape_cast %get3A_137 : vector<1x1x49x8x128xi32> to vector<49x8x128xi32>
      %ge3A_139 = vector.broadcast %sub3A : i32 to vector<49x8x128xi32>
      %ge3A_140 = arith.cmpi sge, %get3A_138, %ge3A_139 : vector<49x8x128xi32>
      %jit3A_141 = arith.constant 1.000000e+00 : f32
      %jit3A_142 = arith.constant 0.000000e+00 : f32
      %broadcast_in_dim3A_143 = vector.broadcast %jit3A_141 : f32 to vector<49x8x128xf32>
      %broadcast_in_dim3A_144 = vector.broadcast %jit3A_142 : f32 to vector<49x8x128xf32>
      %select_n3A_145 = arith.select %ge3A_140, %broadcast_in_dim3A_143, %broadcast_in_dim3A_144 : vector<49x8x128xi1>, vector<49x8x128xf32>
      %reduce_sum3A_146 = arith.constant dense<0.000000e+00> : vector<8x128xf32>
      %reduce_sum3A_147 = vector.multi_reduction <add>, %select_n3A_145, %reduce_sum3A_146 [0] : vector<49x8x128xf32> to vector<8x128xf32>
      %add3A_148 = arith.addf %add3A, %reduce_sum3A_147 : vector<8x128xf32>
      %get3A_149 = arith.constant 0 : index
      %get3A_150 = arith.constant 3 : index
      %get3A_151 = arith.constant 0 : index
      %get3A_152 = arith.constant 0 : index
      %get3A_153 = arith.constant 0 : index
      %get3A_154 = vector.load %arg4[%get3A_149, %get3A_150, %get3A_151, %get3A_152, %get3A_153] : memref<2x12x49x8x128xi32, #tpu.memory_space<vmem>>, vector<1x1x49x8x128xi32>
      %get3A_155 = vector.shape_cast %get3A_154 : vector<1x1x49x8x128xi32> to vector<49x8x128xi32>
      %ge3A_156 = vector.broadcast %sub3A : i32 to vector<49x8x128xi32>
      %ge3A_157 = arith.cmpi sge, %get3A_155, %ge3A_156 : vector<49x8x128xi32>
      %jit3A_158 = arith.constant 1.000000e+00 : f32
      %jit3A_159 = arith.constant 0.000000e+00 : f32
      %broadcast_in_dim3A_160 = vector.broadcast %jit3A_158 : f32 to vector<49x8x128xf32>
      %broadcast_in_dim3A_161 = vector.broadcast %jit3A_159 : f32 to vector<49x8x128xf32>
      %select_n3A_162 = arith.select %ge3A_157, %broadcast_in_dim3A_160, %broadcast_in_dim3A_161 : vector<49x8x128xi1>, vector<49x8x128xf32>
      %reduce_sum3A_163 = arith.constant dense<0.000000e+00> : vector<8x128xf32>
      %reduce_sum3A_164 = vector.multi_reduction <add>, %select_n3A_162, %reduce_sum3A_163 [0] : vector<49x8x128xf32> to vector<8x128xf32>
      %add3A_165 = arith.addf %add3A_148, %reduce_sum3A_164 : vector<8x128xf32>
      %get3A_166 = arith.constant 0 : index
      %get3A_167 = arith.constant 4 : index
      %get3A_168 = arith.constant 0 : index
      %get3A_169 = arith.constant 0 : index
      %get3A_170 = arith.constant 0 : index
      %get3A_171 = vector.load %arg4[%get3A_166, %get3A_167, %get3A_168, %get3A_169, %get3A_170] : memref<2x12x49x8x128xi32, #tpu.memory_space<vmem>>, vector<1x1x49x8x128xi32>
      %get3A_172 = vector.shape_cast %get3A_171 : vector<1x1x49x8x128xi32> to vector<49x8x128xi32>
      %ge3A_173 = vector.broadcast %sub3A : i32 to vector<49x8x128xi32>
      %ge3A_174 = arith.cmpi sge, %get3A_172, %ge3A_173 : vector<49x8x128xi32>
      %jit3A_175 = arith.constant 1.000000e+00 : f32
      %jit3A_176 = arith.constant 0.000000e+00 : f32
      %broadcast_in_dim3A_177 = vector.broadcast %jit3A_175 : f32 to vector<49x8x128xf32>
      %broadcast_in_dim3A_178 = vector.broadcast %jit3A_176 : f32 to vector<49x8x128xf32>
      %select_n3A_179 = arith.select %ge3A_174, %broadcast_in_dim3A_177, %broadcast_in_dim3A_178 : vector<49x8x128xi1>, vector<49x8x128xf32>
      %reduce_sum3A_180 = arith.constant dense<0.000000e+00> : vector<8x128xf32>
      %reduce_sum3A_181 = vector.multi_reduction <add>, %select_n3A_179, %reduce_sum3A_180 [0] : vector<49x8x128xf32> to vector<8x128xf32>
      %add3A_182 = arith.addf %add3A_165, %reduce_sum3A_181 : vector<8x128xf32>
      %get3A_183 = arith.constant 0 : index
      %get3A_184 = arith.constant 5 : index
      %get3A_185 = arith.constant 0 : index
      %get3A_186 = arith.constant 0 : index
      %get3A_187 = arith.constant 0 : index
      %get3A_188 = vector.load %arg4[%get3A_183, %get3A_184, %get3A_185, %get3A_186, %get3A_187] : memref<2x12x49x8x128xi32, #tpu.memory_space<vmem>>, vector<1x1x49x8x128xi32>
      %get3A_189 = vector.shape_cast %get3A_188 : vector<1x1x49x8x128xi32> to vector<49x8x128xi32>
      %ge3A_190 = vector.broadcast %sub3A : i32 to vector<49x8x128xi32>
      %ge3A_191 = arith.cmpi sge, %get3A_189, %ge3A_190 : vector<49x8x128xi32>
      %jit3A_192 = arith.constant 1.000000e+00 : f32
      %jit3A_193 = arith.constant 0.000000e+00 : f32
      %broadcast_in_dim3A_194 = vector.broadcast %jit3A_192 : f32 to vector<49x8x128xf32>
      %broadcast_in_dim3A_195 = vector.broadcast %jit3A_193 : f32 to vector<49x8x128xf32>
      %select_n3A_196 = arith.select %ge3A_191, %broadcast_in_dim3A_194, %broadcast_in_dim3A_195 : vector<49x8x128xi1>, vector<49x8x128xf32>
      %reduce_sum3A_197 = arith.constant dense<0.000000e+00> : vector<8x128xf32>
      %reduce_sum3A_198 = vector.multi_reduction <add>, %select_n3A_196, %reduce_sum3A_197 [0] : vector<49x8x128xf32> to vector<8x128xf32>
      %add3A_199 = arith.addf %add3A_182, %reduce_sum3A_198 : vector<8x128xf32>
      %get3A_200 = arith.constant 0 : index
      %get3A_201 = arith.constant 6 : index
      %get3A_202 = arith.constant 0 : index
      %get3A_203 = arith.constant 0 : index
      %get3A_204 = arith.constant 0 : index
      %get3A_205 = vector.load %arg4[%get3A_200, %get3A_201, %get3A_202, %get3A_203, %get3A_204] : memref<2x12x49x8x128xi32, #tpu.memory_space<vmem>>, vector<1x1x49x8x128xi32>
      %get3A_206 = vector.shape_cast %get3A_205 : vector<1x1x49x8x128xi32> to vector<49x8x128xi32>
      %ge3A_207 = vector.broadcast %sub3A : i32 to vector<49x8x128xi32>
      %ge3A_208 = arith.cmpi sge, %get3A_206, %ge3A_207 : vector<49x8x128xi32>
      %jit3A_209 = arith.constant 1.000000e+00 : f32
      %jit3A_210 = arith.constant 0.000000e+00 : f32
      %broadcast_in_dim3A_211 = vector.broadcast %jit3A_209 : f32 to vector<49x8x128xf32>
      %broadcast_in_dim3A_212 = vector.broadcast %jit3A_210 : f32 to vector<49x8x128xf32>
      %select_n3A_213 = arith.select %ge3A_208, %broadcast_in_dim3A_211, %broadcast_in_dim3A_212 : vector<49x8x128xi1>, vector<49x8x128xf32>
      %reduce_sum3A_214 = arith.constant dense<0.000000e+00> : vector<8x128xf32>
      %reduce_sum3A_215 = vector.multi_reduction <add>, %select_n3A_213, %reduce_sum3A_214 [0] : vector<49x8x128xf32> to vector<8x128xf32>
      %add3A_216 = arith.addf %add3A_199, %reduce_sum3A_215 : vector<8x128xf32>
      %get3A_217 = arith.constant 0 : index
      %get3A_218 = arith.constant 7 : index
      %get3A_219 = arith.constant 0 : index
      %get3A_220 = arith.constant 0 : index
      %get3A_221 = arith.constant 0 : index
      %get3A_222 = vector.load %arg4[%get3A_217, %get3A_218, %get3A_219, %get3A_220, %get3A_221] : memref<2x12x49x8x128xi32, #tpu.memory_space<vmem>>, vector<1x1x49x8x128xi32>
      %get3A_223 = vector.shape_cast %get3A_222 : vector<1x1x49x8x128xi32> to vector<49x8x128xi32>
      %ge3A_224 = vector.broadcast %sub3A : i32 to vector<49x8x128xi32>
      %ge3A_225 = arith.cmpi sge, %get3A_223, %ge3A_224 : vector<49x8x128xi32>
      %jit3A_226 = arith.constant 1.000000e+00 : f32
      %jit3A_227 = arith.constant 0.000000e+00 : f32
      %broadcast_in_dim3A_228 = vector.broadcast %jit3A_226 : f32 to vector<49x8x128xf32>
      %broadcast_in_dim3A_229 = vector.broadcast %jit3A_227 : f32 to vector<49x8x128xf32>
      %select_n3A_230 = arith.select %ge3A_225, %broadcast_in_dim3A_228, %broadcast_in_dim3A_229 : vector<49x8x128xi1>, vector<49x8x128xf32>
      %reduce_sum3A_231 = arith.constant dense<0.000000e+00> : vector<8x128xf32>
      %reduce_sum3A_232 = vector.multi_reduction <add>, %select_n3A_230, %reduce_sum3A_231 [0] : vector<49x8x128xf32> to vector<8x128xf32>
      %add3A_233 = arith.addf %add3A_216, %reduce_sum3A_232 : vector<8x128xf32>
      %get3A_234 = arith.constant 0 : index
      %get3A_235 = arith.constant 8 : index
      %get3A_236 = arith.constant 0 : index
      %get3A_237 = arith.constant 0 : index
      %get3A_238 = arith.constant 0 : index
      %get3A_239 = vector.load %arg4[%get3A_234, %get3A_235, %get3A_236, %get3A_237, %get3A_238] : memref<2x12x49x8x128xi32, #tpu.memory_space<vmem>>, vector<1x1x49x8x128xi32>
      %get3A_240 = vector.shape_cast %get3A_239 : vector<1x1x49x8x128xi32> to vector<49x8x128xi32>
      %ge3A_241 = vector.broadcast %sub3A : i32 to vector<49x8x128xi32>
      %ge3A_242 = arith.cmpi sge, %get3A_240, %ge3A_241 : vector<49x8x128xi32>
      %jit3A_243 = arith.constant 1.000000e+00 : f32
      %jit3A_244 = arith.constant 0.000000e+00 : f32
      %broadcast_in_dim3A_245 = vector.broadcast %jit3A_243 : f32 to vector<49x8x128xf32>
      %broadcast_in_dim3A_246 = vector.broadcast %jit3A_244 : f32 to vector<49x8x128xf32>
      %select_n3A_247 = arith.select %ge3A_242, %broadcast_in_dim3A_245, %broadcast_in_dim3A_246 : vector<49x8x128xi1>, vector<49x8x128xf32>
      %reduce_sum3A_248 = arith.constant dense<0.000000e+00> : vector<8x128xf32>
      %reduce_sum3A_249 = vector.multi_reduction <add>, %select_n3A_247, %reduce_sum3A_248 [0] : vector<49x8x128xf32> to vector<8x128xf32>
      %add3A_250 = arith.addf %add3A_233, %reduce_sum3A_249 : vector<8x128xf32>
      %get3A_251 = arith.constant 0 : index
      %get3A_252 = arith.constant 9 : index
      %get3A_253 = arith.constant 0 : index
      %get3A_254 = arith.constant 0 : index
      %get3A_255 = arith.constant 0 : index
      %get3A_256 = vector.load %arg4[%get3A_251, %get3A_252, %get3A_253, %get3A_254, %get3A_255] : memref<2x12x49x8x128xi32, #tpu.memory_space<vmem>>, vector<1x1x49x8x128xi32>
      %get3A_257 = vector.shape_cast %get3A_256 : vector<1x1x49x8x128xi32> to vector<49x8x128xi32>
      %ge3A_258 = vector.broadcast %sub3A : i32 to vector<49x8x128xi32>
      %ge3A_259 = arith.cmpi sge, %get3A_257, %ge3A_258 : vector<49x8x128xi32>
      %jit3A_260 = arith.constant 1.000000e+00 : f32
      %jit3A_261 = arith.constant 0.000000e+00 : f32
      %broadcast_in_dim3A_262 = vector.broadcast %jit3A_260 : f32 to vector<49x8x128xf32>
      %broadcast_in_dim3A_263 = vector.broadcast %jit3A_261 : f32 to vector<49x8x128xf32>
      %select_n3A_264 = arith.select %ge3A_259, %broadcast_in_dim3A_262, %broadcast_in_dim3A_263 : vector<49x8x128xi1>, vector<49x8x128xf32>
      %reduce_sum3A_265 = arith.constant dense<0.000000e+00> : vector<8x128xf32>
      %reduce_sum3A_266 = vector.multi_reduction <add>, %select_n3A_264, %reduce_sum3A_265 [0] : vector<49x8x128xf32> to vector<8x128xf32>
      %add3A_267 = arith.addf %add3A_250, %reduce_sum3A_266 : vector<8x128xf32>
      %get3A_268 = arith.constant 0 : index
      %get3A_269 = arith.constant 10 : index
      %get3A_270 = arith.constant 0 : index
      %get3A_271 = arith.constant 0 : index
      %get3A_272 = arith.constant 0 : index
      %get3A_273 = vector.load %arg4[%get3A_268, %get3A_269, %get3A_270, %get3A_271, %get3A_272] : memref<2x12x49x8x128xi32, #tpu.memory_space<vmem>>, vector<1x1x49x8x128xi32>
      %get3A_274 = vector.shape_cast %get3A_273 : vector<1x1x49x8x128xi32> to vector<49x8x128xi32>
      %ge3A_275 = vector.broadcast %sub3A : i32 to vector<49x8x128xi32>
      %ge3A_276 = arith.cmpi sge, %get3A_274, %ge3A_275 : vector<49x8x128xi32>
      %jit3A_277 = arith.constant 1.000000e+00 : f32
      %jit3A_278 = arith.constant 0.000000e+00 : f32
      %broadcast_in_dim3A_279 = vector.broadcast %jit3A_277 : f32 to vector<49x8x128xf32>
      %broadcast_in_dim3A_280 = vector.broadcast %jit3A_278 : f32 to vector<49x8x128xf32>
      %select_n3A_281 = arith.select %ge3A_276, %broadcast_in_dim3A_279, %broadcast_in_dim3A_280 : vector<49x8x128xi1>, vector<49x8x128xf32>
      %reduce_sum3A_282 = arith.constant dense<0.000000e+00> : vector<8x128xf32>
      %reduce_sum3A_283 = vector.multi_reduction <add>, %select_n3A_281, %reduce_sum3A_282 [0] : vector<49x8x128xf32> to vector<8x128xf32>
      %add3A_284 = arith.addf %add3A_267, %reduce_sum3A_283 : vector<8x128xf32>
      %get3A_285 = arith.constant 0 : index
      %get3A_286 = arith.constant 11 : index
      %get3A_287 = arith.constant 0 : index
      %get3A_288 = arith.constant 0 : index
      %get3A_289 = arith.constant 0 : index
      %get3A_290 = vector.load %arg4[%get3A_285, %get3A_286, %get3A_287, %get3A_288, %get3A_289] : memref<2x12x49x8x128xi32, #tpu.memory_space<vmem>>, vector<1x1x49x8x128xi32>
      %get3A_291 = vector.shape_cast %get3A_290 : vector<1x1x49x8x128xi32> to vector<49x8x128xi32>
      %ge3A_292 = vector.broadcast %sub3A : i32 to vector<49x8x128xi32>
      %ge3A_293 = arith.cmpi sge, %get3A_291, %ge3A_292 : vector<49x8x128xi32>
      %jit3A_294 = arith.constant 1.000000e+00 : f32
      %jit3A_295 = arith.constant 0.000000e+00 : f32
      %broadcast_in_dim3A_296 = vector.broadcast %jit3A_294 : f32 to vector<49x8x128xf32>
      %broadcast_in_dim3A_297 = vector.broadcast %jit3A_295 : f32 to vector<49x8x128xf32>
      %select_n3A_298 = arith.select %ge3A_293, %broadcast_in_dim3A_296, %broadcast_in_dim3A_297 : vector<49x8x128xi1>, vector<49x8x128xf32>
      %reduce_sum3A_299 = arith.constant dense<0.000000e+00> : vector<8x128xf32>
      %reduce_sum3A_300 = vector.multi_reduction <add>, %select_n3A_298, %reduce_sum3A_299 [0] : vector<49x8x128xf32> to vector<8x128xf32>
      %add3A_301 = arith.addf %add3A_284, %reduce_sum3A_300 : vector<8x128xf32>
      %reduce_sum3A_302 = vector.shape_cast %add3A_301 : vector<8x128xf32> to vector<1x8x128xf32>
      %reduce_sum3A_303 = arith.constant dense<0.000000e+00> : vector<1xf32>
      %reduce_sum3A_304 = vector.multi_reduction <add>, %reduce_sum3A_302, %reduce_sum3A_303 [1, 2] : vector<1x8x128xf32> to vector<1xf32>
      %reduce_sum3A_305 = vector.shape_cast %reduce_sum3A_304 : vector<1xf32> to vector<1x1x1xf32>
      %reduce_sum3A_306 = vector.extract %reduce_sum3A_305[0, 0, 0] : f32 from vector<1x1x1xf32>
      %ge3A_307 = arith.constant 6.021100e+04 : f32
      %ge3A_308 = arith.cmpf oge, %reduce_sum3A_306, %ge3A_307 : f32
      %select_n3A_309 = arith.select %ge3A_308, %sub3A, %scan3A_94 : i32
      %sub3A_310 = arith.constant 1 : i32
      %sub3A_311 = arith.subi %sub3A, %sub3A_310 : i32
      %select_n3A_312 = arith.select %ge3A_308, %scan3A_95, %sub3A_311 : i32
      %or3A_313 = arith.ori %scan3A_96, %scan3A_97 : i32
      %xor3A_314 = arith.xori %scan3A_96, %scan3A_97 : i32
      %shift_right_arithmetic3A_315 = arith.constant 1 : i32
      %shift_right_arithmetic3A_316 = arith.shrsi %xor3A_314, %shift_right_arithmetic3A_315 : i32
      %sub3A_317 = arith.subi %or3A_313, %shift_right_arithmetic3A_316 : i32
      %get3A_318 = arith.constant 1 : index
      %get3A_319 = arith.constant 0 : index
      %get3A_320 = arith.constant 0 : index
      %get3A_321 = arith.constant 0 : index
      %get3A_322 = arith.constant 0 : index
      %get3A_323 = vector.load %arg4[%get3A_318, %get3A_319, %get3A_320, %get3A_321, %get3A_322] : memref<2x12x49x8x128xi32, #tpu.memory_space<vmem>>, vector<1x1x49x8x128xi32>
      %get3A_324 = vector.shape_cast %get3A_323 : vector<1x1x49x8x128xi32> to vector<49x8x128xi32>
      %ge3A_325 = vector.broadcast %sub3A_317 : i32 to vector<49x8x128xi32>
      %ge3A_326 = arith.cmpi sge, %get3A_324, %ge3A_325 : vector<49x8x128xi32>
      %jit3A_327 = arith.constant 1.000000e+00 : f32
      %jit3A_328 = arith.constant 0.000000e+00 : f32
      %broadcast_in_dim3A_329 = vector.broadcast %jit3A_327 : f32 to vector<49x8x128xf32>
      %broadcast_in_dim3A_330 = vector.broadcast %jit3A_328 : f32 to vector<49x8x128xf32>
      %select_n3A_331 = arith.select %ge3A_326, %broadcast_in_dim3A_329, %broadcast_in_dim3A_330 : vector<49x8x128xi1>, vector<49x8x128xf32>
      %reduce_sum3A_332 = arith.constant dense<0.000000e+00> : vector<8x128xf32>
      %reduce_sum3A_333 = vector.multi_reduction <add>, %select_n3A_331, %reduce_sum3A_332 [0] : vector<49x8x128xf32> to vector<8x128xf32>
      %get3A_334 = arith.constant 1 : index
      %get3A_335 = arith.constant 1 : index
      %get3A_336 = arith.constant 0 : index
      %get3A_337 = arith.constant 0 : index
      %get3A_338 = arith.constant 0 : index
      %get3A_339 = vector.load %arg4[%get3A_334, %get3A_335, %get3A_336, %get3A_337, %get3A_338] : memref<2x12x49x8x128xi32, #tpu.memory_space<vmem>>, vector<1x1x49x8x128xi32>
      %get3A_340 = vector.shape_cast %get3A_339 : vector<1x1x49x8x128xi32> to vector<49x8x128xi32>
      %ge3A_341 = vector.broadcast %sub3A_317 : i32 to vector<49x8x128xi32>
      %ge3A_342 = arith.cmpi sge, %get3A_340, %ge3A_341 : vector<49x8x128xi32>
      %jit3A_343 = arith.constant 1.000000e+00 : f32
      %jit3A_344 = arith.constant 0.000000e+00 : f32
      %broadcast_in_dim3A_345 = vector.broadcast %jit3A_343 : f32 to vector<49x8x128xf32>
      %broadcast_in_dim3A_346 = vector.broadcast %jit3A_344 : f32 to vector<49x8x128xf32>
      %select_n3A_347 = arith.select %ge3A_342, %broadcast_in_dim3A_345, %broadcast_in_dim3A_346 : vector<49x8x128xi1>, vector<49x8x128xf32>
      %reduce_sum3A_348 = arith.constant dense<0.000000e+00> : vector<8x128xf32>
      %reduce_sum3A_349 = vector.multi_reduction <add>, %select_n3A_347, %reduce_sum3A_348 [0] : vector<49x8x128xf32> to vector<8x128xf32>
      %add3A_350 = arith.addf %reduce_sum3A_333, %reduce_sum3A_349 : vector<8x128xf32>
      %get3A_351 = arith.constant 1 : index
      %get3A_352 = arith.constant 2 : index
      %get3A_353 = arith.constant 0 : index
      %get3A_354 = arith.constant 0 : index
      %get3A_355 = arith.constant 0 : index
      %get3A_356 = vector.load %arg4[%get3A_351, %get3A_352, %get3A_353, %get3A_354, %get3A_355] : memref<2x12x49x8x128xi32, #tpu.memory_space<vmem>>, vector<1x1x49x8x128xi32>
      %get3A_357 = vector.shape_cast %get3A_356 : vector<1x1x49x8x128xi32> to vector<49x8x128xi32>
      %ge3A_358 = vector.broadcast %sub3A_317 : i32 to vector<49x8x128xi32>
      %ge3A_359 = arith.cmpi sge, %get3A_357, %ge3A_358 : vector<49x8x128xi32>
      %jit3A_360 = arith.constant 1.000000e+00 : f32
      %jit3A_361 = arith.constant 0.000000e+00 : f32
      %broadcast_in_dim3A_362 = vector.broadcast %jit3A_360 : f32 to vector<49x8x128xf32>
      %broadcast_in_dim3A_363 = vector.broadcast %jit3A_361 : f32 to vector<49x8x128xf32>
      %select_n3A_364 = arith.select %ge3A_359, %broadcast_in_dim3A_362, %broadcast_in_dim3A_363 : vector<49x8x128xi1>, vector<49x8x128xf32>
      %reduce_sum3A_365 = arith.constant dense<0.000000e+00> : vector<8x128xf32>
      %reduce_sum3A_366 = vector.multi_reduction <add>, %select_n3A_364, %reduce_sum3A_365 [0] : vector<49x8x128xf32> to vector<8x128xf32>
      %add3A_367 = arith.addf %add3A_350, %reduce_sum3A_366 : vector<8x128xf32>
      %get3A_368 = arith.constant 1 : index
      %get3A_369 = arith.constant 3 : index
      %get3A_370 = arith.constant 0 : index
      %get3A_371 = arith.constant 0 : index
      %get3A_372 = arith.constant 0 : index
      %get3A_373 = vector.load %arg4[%get3A_368, %get3A_369, %get3A_370, %get3A_371, %get3A_372] : memref<2x12x49x8x128xi32, #tpu.memory_space<vmem>>, vector<1x1x49x8x128xi32>
      %get3A_374 = vector.shape_cast %get3A_373 : vector<1x1x49x8x128xi32> to vector<49x8x128xi32>
      %ge3A_375 = vector.broadcast %sub3A_317 : i32 to vector<49x8x128xi32>
      %ge3A_376 = arith.cmpi sge, %get3A_374, %ge3A_375 : vector<49x8x128xi32>
      %jit3A_377 = arith.constant 1.000000e+00 : f32
      %jit3A_378 = arith.constant 0.000000e+00 : f32
      %broadcast_in_dim3A_379 = vector.broadcast %jit3A_377 : f32 to vector<49x8x128xf32>
      %broadcast_in_dim3A_380 = vector.broadcast %jit3A_378 : f32 to vector<49x8x128xf32>
      %select_n3A_381 = arith.select %ge3A_376, %broadcast_in_dim3A_379, %broadcast_in_dim3A_380 : vector<49x8x128xi1>, vector<49x8x128xf32>
      %reduce_sum3A_382 = arith.constant dense<0.000000e+00> : vector<8x128xf32>
      %reduce_sum3A_383 = vector.multi_reduction <add>, %select_n3A_381, %reduce_sum3A_382 [0] : vector<49x8x128xf32> to vector<8x128xf32>
      %add3A_384 = arith.addf %add3A_367, %reduce_sum3A_383 : vector<8x128xf32>
      %get3A_385 = arith.constant 1 : index
      %get3A_386 = arith.constant 4 : index
      %get3A_387 = arith.constant 0 : index
      %get3A_388 = arith.constant 0 : index
      %get3A_389 = arith.constant 0 : index
      %get3A_390 = vector.load %arg4[%get3A_385, %get3A_386, %get3A_387, %get3A_388, %get3A_389] : memref<2x12x49x8x128xi32, #tpu.memory_space<vmem>>, vector<1x1x49x8x128xi32>
      %get3A_391 = vector.shape_cast %get3A_390 : vector<1x1x49x8x128xi32> to vector<49x8x128xi32>
      %ge3A_392 = vector.broadcast %sub3A_317 : i32 to vector<49x8x128xi32>
      %ge3A_393 = arith.cmpi sge, %get3A_391, %ge3A_392 : vector<49x8x128xi32>
      %jit3A_394 = arith.constant 1.000000e+00 : f32
      %jit3A_395 = arith.constant 0.000000e+00 : f32
      %broadcast_in_dim3A_396 = vector.broadcast %jit3A_394 : f32 to vector<49x8x128xf32>
      %broadcast_in_dim3A_397 = vector.broadcast %jit3A_395 : f32 to vector<49x8x128xf32>
      %select_n3A_398 = arith.select %ge3A_393, %broadcast_in_dim3A_396, %broadcast_in_dim3A_397 : vector<49x8x128xi1>, vector<49x8x128xf32>
      %reduce_sum3A_399 = arith.constant dense<0.000000e+00> : vector<8x128xf32>
      %reduce_sum3A_400 = vector.multi_reduction <add>, %select_n3A_398, %reduce_sum3A_399 [0] : vector<49x8x128xf32> to vector<8x128xf32>
      %add3A_401 = arith.addf %add3A_384, %reduce_sum3A_400 : vector<8x128xf32>
      %get3A_402 = arith.constant 1 : index
      %get3A_403 = arith.constant 5 : index
      %get3A_404 = arith.constant 0 : index
      %get3A_405 = arith.constant 0 : index
      %get3A_406 = arith.constant 0 : index
      %get3A_407 = vector.load %arg4[%get3A_402, %get3A_403, %get3A_404, %get3A_405, %get3A_406] : memref<2x12x49x8x128xi32, #tpu.memory_space<vmem>>, vector<1x1x49x8x128xi32>
      %get3A_408 = vector.shape_cast %get3A_407 : vector<1x1x49x8x128xi32> to vector<49x8x128xi32>
      %ge3A_409 = vector.broadcast %sub3A_317 : i32 to vector<49x8x128xi32>
      %ge3A_410 = arith.cmpi sge, %get3A_408, %ge3A_409 : vector<49x8x128xi32>
      %jit3A_411 = arith.constant 1.000000e+00 : f32
      %jit3A_412 = arith.constant 0.000000e+00 : f32
      %broadcast_in_dim3A_413 = vector.broadcast %jit3A_411 : f32 to vector<49x8x128xf32>
      %broadcast_in_dim3A_414 = vector.broadcast %jit3A_412 : f32 to vector<49x8x128xf32>
      %select_n3A_415 = arith.select %ge3A_410, %broadcast_in_dim3A_413, %broadcast_in_dim3A_414 : vector<49x8x128xi1>, vector<49x8x128xf32>
      %reduce_sum3A_416 = arith.constant dense<0.000000e+00> : vector<8x128xf32>
      %reduce_sum3A_417 = vector.multi_reduction <add>, %select_n3A_415, %reduce_sum3A_416 [0] : vector<49x8x128xf32> to vector<8x128xf32>
      %add3A_418 = arith.addf %add3A_401, %reduce_sum3A_417 : vector<8x128xf32>
      %get3A_419 = arith.constant 1 : index
      %get3A_420 = arith.constant 6 : index
      %get3A_421 = arith.constant 0 : index
      %get3A_422 = arith.constant 0 : index
      %get3A_423 = arith.constant 0 : index
      %get3A_424 = vector.load %arg4[%get3A_419, %get3A_420, %get3A_421, %get3A_422, %get3A_423] : memref<2x12x49x8x128xi32, #tpu.memory_space<vmem>>, vector<1x1x49x8x128xi32>
      %get3A_425 = vector.shape_cast %get3A_424 : vector<1x1x49x8x128xi32> to vector<49x8x128xi32>
      %ge3A_426 = vector.broadcast %sub3A_317 : i32 to vector<49x8x128xi32>
      %ge3A_427 = arith.cmpi sge, %get3A_425, %ge3A_426 : vector<49x8x128xi32>
      %jit3A_428 = arith.constant 1.000000e+00 : f32
      %jit3A_429 = arith.constant 0.000000e+00 : f32
      %broadcast_in_dim3A_430 = vector.broadcast %jit3A_428 : f32 to vector<49x8x128xf32>
      %broadcast_in_dim3A_431 = vector.broadcast %jit3A_429 : f32 to vector<49x8x128xf32>
      %select_n3A_432 = arith.select %ge3A_427, %broadcast_in_dim3A_430, %broadcast_in_dim3A_431 : vector<49x8x128xi1>, vector<49x8x128xf32>
      %reduce_sum3A_433 = arith.constant dense<0.000000e+00> : vector<8x128xf32>
      %reduce_sum3A_434 = vector.multi_reduction <add>, %select_n3A_432, %reduce_sum3A_433 [0] : vector<49x8x128xf32> to vector<8x128xf32>
      %add3A_435 = arith.addf %add3A_418, %reduce_sum3A_434 : vector<8x128xf32>
      %get3A_436 = arith.constant 1 : index
      %get3A_437 = arith.constant 7 : index
      %get3A_438 = arith.constant 0 : index
      %get3A_439 = arith.constant 0 : index
      %get3A_440 = arith.constant 0 : index
      %get3A_441 = vector.load %arg4[%get3A_436, %get3A_437, %get3A_438, %get3A_439, %get3A_440] : memref<2x12x49x8x128xi32, #tpu.memory_space<vmem>>, vector<1x1x49x8x128xi32>
      %get3A_442 = vector.shape_cast %get3A_441 : vector<1x1x49x8x128xi32> to vector<49x8x128xi32>
      %ge3A_443 = vector.broadcast %sub3A_317 : i32 to vector<49x8x128xi32>
      %ge3A_444 = arith.cmpi sge, %get3A_442, %ge3A_443 : vector<49x8x128xi32>
      %jit3A_445 = arith.constant 1.000000e+00 : f32
      %jit3A_446 = arith.constant 0.000000e+00 : f32
      %broadcast_in_dim3A_447 = vector.broadcast %jit3A_445 : f32 to vector<49x8x128xf32>
      %broadcast_in_dim3A_448 = vector.broadcast %jit3A_446 : f32 to vector<49x8x128xf32>
      %select_n3A_449 = arith.select %ge3A_444, %broadcast_in_dim3A_447, %broadcast_in_dim3A_448 : vector<49x8x128xi1>, vector<49x8x128xf32>
      %reduce_sum3A_450 = arith.constant dense<0.000000e+00> : vector<8x128xf32>
      %reduce_sum3A_451 = vector.multi_reduction <add>, %select_n3A_449, %reduce_sum3A_450 [0] : vector<49x8x128xf32> to vector<8x128xf32>
      %add3A_452 = arith.addf %add3A_435, %reduce_sum3A_451 : vector<8x128xf32>
      %get3A_453 = arith.constant 1 : index
      %get3A_454 = arith.constant 8 : index
      %get3A_455 = arith.constant 0 : index
      %get3A_456 = arith.constant 0 : index
      %get3A_457 = arith.constant 0 : index
      %get3A_458 = vector.load %arg4[%get3A_453, %get3A_454, %get3A_455, %get3A_456, %get3A_457] : memref<2x12x49x8x128xi32, #tpu.memory_space<vmem>>, vector<1x1x49x8x128xi32>
      %get3A_459 = vector.shape_cast %get3A_458 : vector<1x1x49x8x128xi32> to vector<49x8x128xi32>
      %ge3A_460 = vector.broadcast %sub3A_317 : i32 to vector<49x8x128xi32>
      %ge3A_461 = arith.cmpi sge, %get3A_459, %ge3A_460 : vector<49x8x128xi32>
      %jit3A_462 = arith.constant 1.000000e+00 : f32
      %jit3A_463 = arith.constant 0.000000e+00 : f32
      %broadcast_in_dim3A_464 = vector.broadcast %jit3A_462 : f32 to vector<49x8x128xf32>
      %broadcast_in_dim3A_465 = vector.broadcast %jit3A_463 : f32 to vector<49x8x128xf32>
      %select_n3A_466 = arith.select %ge3A_461, %broadcast_in_dim3A_464, %broadcast_in_dim3A_465 : vector<49x8x128xi1>, vector<49x8x128xf32>
      %reduce_sum3A_467 = arith.constant dense<0.000000e+00> : vector<8x128xf32>
      %reduce_sum3A_468 = vector.multi_reduction <add>, %select_n3A_466, %reduce_sum3A_467 [0] : vector<49x8x128xf32> to vector<8x128xf32>
      %add3A_469 = arith.addf %add3A_452, %reduce_sum3A_468 : vector<8x128xf32>
      %get3A_470 = arith.constant 1 : index
      %get3A_471 = arith.constant 9 : index
      %get3A_472 = arith.constant 0 : index
      %get3A_473 = arith.constant 0 : index
      %get3A_474 = arith.constant 0 : index
      %get3A_475 = vector.load %arg4[%get3A_470, %get3A_471, %get3A_472, %get3A_473, %get3A_474] : memref<2x12x49x8x128xi32, #tpu.memory_space<vmem>>, vector<1x1x49x8x128xi32>
      %get3A_476 = vector.shape_cast %get3A_475 : vector<1x1x49x8x128xi32> to vector<49x8x128xi32>
      %ge3A_477 = vector.broadcast %sub3A_317 : i32 to vector<49x8x128xi32>
      %ge3A_478 = arith.cmpi sge, %get3A_476, %ge3A_477 : vector<49x8x128xi32>
      %jit3A_479 = arith.constant 1.000000e+00 : f32
      %jit3A_480 = arith.constant 0.000000e+00 : f32
      %broadcast_in_dim3A_481 = vector.broadcast %jit3A_479 : f32 to vector<49x8x128xf32>
      %broadcast_in_dim3A_482 = vector.broadcast %jit3A_480 : f32 to vector<49x8x128xf32>
      %select_n3A_483 = arith.select %ge3A_478, %broadcast_in_dim3A_481, %broadcast_in_dim3A_482 : vector<49x8x128xi1>, vector<49x8x128xf32>
      %reduce_sum3A_484 = arith.constant dense<0.000000e+00> : vector<8x128xf32>
      %reduce_sum3A_485 = vector.multi_reduction <add>, %select_n3A_483, %reduce_sum3A_484 [0] : vector<49x8x128xf32> to vector<8x128xf32>
      %add3A_486 = arith.addf %add3A_469, %reduce_sum3A_485 : vector<8x128xf32>
      %get3A_487 = arith.constant 1 : index
      %get3A_488 = arith.constant 10 : index
      %get3A_489 = arith.constant 0 : index
      %get3A_490 = arith.constant 0 : index
      %get3A_491 = arith.constant 0 : index
      %get3A_492 = vector.load %arg4[%get3A_487, %get3A_488, %get3A_489, %get3A_490, %get3A_491] : memref<2x12x49x8x128xi32, #tpu.memory_space<vmem>>, vector<1x1x49x8x128xi32>
      %get3A_493 = vector.shape_cast %get3A_492 : vector<1x1x49x8x128xi32> to vector<49x8x128xi32>
      %ge3A_494 = vector.broadcast %sub3A_317 : i32 to vector<49x8x128xi32>
      %ge3A_495 = arith.cmpi sge, %get3A_493, %ge3A_494 : vector<49x8x128xi32>
      %jit3A_496 = arith.constant 1.000000e+00 : f32
      %jit3A_497 = arith.constant 0.000000e+00 : f32
      %broadcast_in_dim3A_498 = vector.broadcast %jit3A_496 : f32 to vector<49x8x128xf32>
      %broadcast_in_dim3A_499 = vector.broadcast %jit3A_497 : f32 to vector<49x8x128xf32>
      %select_n3A_500 = arith.select %ge3A_495, %broadcast_in_dim3A_498, %broadcast_in_dim3A_499 : vector<49x8x128xi1>, vector<49x8x128xf32>
      %reduce_sum3A_501 = arith.constant dense<0.000000e+00> : vector<8x128xf32>
      %reduce_sum3A_502 = vector.multi_reduction <add>, %select_n3A_500, %reduce_sum3A_501 [0] : vector<49x8x128xf32> to vector<8x128xf32>
      %add3A_503 = arith.addf %add3A_486, %reduce_sum3A_502 : vector<8x128xf32>
      %get3A_504 = arith.constant 1 : index
      %get3A_505 = arith.constant 11 : index
      %get3A_506 = arith.constant 0 : index
      %get3A_507 = arith.constant 0 : index
      %get3A_508 = arith.constant 0 : index
      %get3A_509 = vector.load %arg4[%get3A_504, %get3A_505, %get3A_506, %get3A_507, %get3A_508] : memref<2x12x49x8x128xi32, #tpu.memory_space<vmem>>, vector<1x1x49x8x128xi32>
      %get3A_510 = vector.shape_cast %get3A_509 : vector<1x1x49x8x128xi32> to vector<49x8x128xi32>
      %ge3A_511 = vector.broadcast %sub3A_317 : i32 to vector<49x8x128xi32>
      %ge3A_512 = arith.cmpi sge, %get3A_510, %ge3A_511 : vector<49x8x128xi32>
      %jit3A_513 = arith.constant 1.000000e+00 : f32
      %jit3A_514 = arith.constant 0.000000e+00 : f32
      %broadcast_in_dim3A_515 = vector.broadcast %jit3A_513 : f32 to vector<49x8x128xf32>
      %broadcast_in_dim3A_516 = vector.broadcast %jit3A_514 : f32 to vector<49x8x128xf32>
      %select_n3A_517 = arith.select %ge3A_512, %broadcast_in_dim3A_515, %broadcast_in_dim3A_516 : vector<49x8x128xi1>, vector<49x8x128xf32>
      %reduce_sum3A_518 = arith.constant dense<0.000000e+00> : vector<8x128xf32>
      %reduce_sum3A_519 = vector.multi_reduction <add>, %select_n3A_517, %reduce_sum3A_518 [0] : vector<49x8x128xf32> to vector<8x128xf32>
      %add3A_520 = arith.addf %add3A_503, %reduce_sum3A_519 : vector<8x128xf32>
      %reduce_sum3A_521 = vector.shape_cast %add3A_520 : vector<8x128xf32> to vector<1x8x128xf32>
      %reduce_sum3A_522 = arith.constant dense<0.000000e+00> : vector<1xf32>
      %reduce_sum3A_523 = vector.multi_reduction <add>, %reduce_sum3A_521, %reduce_sum3A_522 [1, 2] : vector<1x8x128xf32> to vector<1xf32>
      %reduce_sum3A_524 = vector.shape_cast %reduce_sum3A_523 : vector<1xf32> to vector<1x1x1xf32>
      %reduce_sum3A_525 = vector.extract %reduce_sum3A_524[0, 0, 0] : f32 from vector<1x1x1xf32>
      %ge3A_526 = arith.constant 6.021100e+04 : f32
      %ge3A_527 = arith.cmpf oge, %reduce_sum3A_525, %ge3A_526 : f32
      %select_n3A_528 = arith.select %ge3A_527, %sub3A_317, %scan3A_96 : i32
      %sub3A_529 = arith.constant 1 : i32
      %sub3A_530 = arith.subi %sub3A_317, %sub3A_529 : i32
      %select_n3A_531 = arith.select %ge3A_527, %scan3A_97, %sub3A_530 : i32
      scf.yield %select_n3A_309, %select_n3A_312, %select_n3A_528, %select_n3A_531 : i32, i32, i32, i32
    }
    %get3A_49 = arith.constant 0 : index
    %get3A_50 = arith.constant 0 : index
    %get3A_51 = arith.constant 0 : index
    %get3A_52 = arith.constant 0 : index
    %get3A_53 = arith.constant 0 : index
    %get3A_54 = vector.load %arg4[%get3A_49, %get3A_50, %get3A_51, %get3A_52, %get3A_53] : memref<2x12x49x8x128xi32, #tpu.memory_space<vmem>>, vector<1x12x49x8x128xi32>
    %get3A_55 = vector.shape_cast %get3A_54 : vector<1x12x49x8x128xi32> to vector<12x49x8x128xi32>
    %reshape3A_56 = vector.shape_cast %get3A_55 : vector<12x49x8x128xi32> to vector<4704x128xi32>
    %ge3A = vector.broadcast %scan3A_48#0 : i32 to vector<4704x128xi32>
    %ge3A_57 = arith.cmpi sge, %reshape3A_56, %ge3A : vector<4704x128xi32>
    %get3A_58 = arith.constant 0 : index
    %get3A_59 = arith.constant 0 : index
    %get3A_60 = arith.constant 0 : index
    %get3A_61 = vector.load %arg1[%get3A_58, %get3A_59, %get3A_60] : memref<2x4704x128xf32, #tpu.memory_space<vmem>>, vector<1x4704x128xf32>
    %get3A_62 = vector.shape_cast %get3A_61 : vector<1x4704x128xf32> to vector<4704x128xf32>
    %jit3A = arith.constant 0.000000e+00 : f32
    %broadcast_in_dim3A = vector.broadcast %jit3A : f32 to vector<4704x128xf32>
    %select_n3A = arith.select %ge3A_57, %get3A_62, %broadcast_in_dim3A : vector<4704x128xi1>, vector<4704x128xf32>
    %swap3A_63 = arith.constant 0 : index
    %swap3A_64 = arith.constant 0 : index
    %swap3A_65 = arith.constant 0 : index
    %swap3A_66 = vector.load %arg3[%swap3A_63, %swap3A_64, %swap3A_65] : memref<2x4704x128xf32, #tpu.memory_space<vmem>>, vector<1x4704x128xf32>
    %swap3A_67 = vector.shape_cast %swap3A_66 : vector<1x4704x128xf32> to vector<4704x128xf32>
    %swap3A_68 = vector.shape_cast %select_n3A : vector<4704x128xf32> to vector<1x4704x128xf32>
    tpu.vector_store %arg3[%swap3A_63, %swap3A_64, %swap3A_65], %swap3A_68 {strides = array<i32>} : memref<2x4704x128xf32, #tpu.memory_space<vmem>>, vector<1x4704x128xf32>,
    %get3A_69 = arith.constant 1 : index
    %get3A_70 = arith.constant 0 : index
    %get3A_71 = arith.constant 0 : index
    %get3A_72 = arith.constant 0 : index
    %get3A_73 = arith.constant 0 : index
    %get3A_74 = vector.load %arg4[%get3A_69, %get3A_70, %get3A_71, %get3A_72, %get3A_73] : memref<2x12x49x8x128xi32, #tpu.memory_space<vmem>>, vector<1x12x49x8x128xi32>
    %get3A_75 = vector.shape_cast %get3A_74 : vector<1x12x49x8x128xi32> to vector<12x49x8x128xi32>
    %reshape3A_76 = vector.shape_cast %get3A_75 : vector<12x49x8x128xi32> to vector<4704x128xi32>
    %ge3A_77 = vector.broadcast %scan3A_48#2 : i32 to vector<4704x128xi32>
    %ge3A_78 = arith.cmpi sge, %reshape3A_76, %ge3A_77 : vector<4704x128xi32>
    %get3A_79 = arith.constant 1 : index
    %get3A_80 = arith.constant 0 : index
    %get3A_81 = arith.constant 0 : index
    %get3A_82 = vector.load %arg1[%get3A_79, %get3A_80, %get3A_81] : memref<2x4704x128xf32, #tpu.memory_space<vmem>>, vector<1x4704x128xf32>
    %get3A_83 = vector.shape_cast %get3A_82 : vector<1x4704x128xf32> to vector<4704x128xf32>
    %jit3A_84 = arith.constant 0.000000e+00 : f32
    %broadcast_in_dim3A_85 = vector.broadcast %jit3A_84 : f32 to vector<4704x128xf32>
    %select_n3A_86 = arith.select %ge3A_78, %get3A_83, %broadcast_in_dim3A_85 : vector<4704x128xi1>, vector<4704x128xf32>
    %swap3A_87 = arith.constant 1 : index
    %swap3A_88 = arith.constant 0 : index
    %swap3A_89 = arith.constant 0 : index
    %swap3A_90 = vector.load %arg3[%swap3A_87, %swap3A_88, %swap3A_89] : memref<2x4704x128xf32, #tpu.memory_space<vmem>>, vector<1x4704x128xf32>
    %swap3A_91 = vector.shape_cast %swap3A_90 : vector<1x4704x128xf32> to vector<4704x128xf32>
    %swap3A_92 = vector.shape_cast %select_n3A_86 : vector<4704x128xf32> to vector<1x4704x128xf32>
    tpu.vector_store %arg3[%swap3A_87, %swap3A_88, %swap3A_89], %swap3A_92 {strides = array<i32>} : memref<2x4704x128xf32, #tpu.memory_space<vmem>>, vector<1x4704x128xf32>,
    return
  }
  func.func @transform_0(%arg0: i32) -> (i32, i32, i32) {
    %c0_i32 = arith.constant 0 : i32
    %c0_i32_0 = arith.constant 0 : i32
    %c0_i32_1 = arith.constant 0 : i32
    return %arg0, %c0_i32, %c0_i32_0 : i32, i32, i32
  }
  func.func @transform_1(%arg0: i32) -> (i32, i32) {
    %c0_i32 = arith.constant 0 : i32
    %c0_i32_0 = arith.constant 0 : i32
    %c0_i32_1 = arith.constant 0 : i32
    return %c0_i32, %c0_i32_0 : i32, i32
  }
  func.func @transform_2(%arg0: i32) -> (i32, i32, i32) {
    %c0_i32 = arith.constant 0 : i32
    %c0_i32_0 = arith.constant 0 : i32
    %c0_i32_1 = arith.constant 0 : i32
    return %arg0, %c0_i32, %c0_i32_0 : i32, i32, i32
  }
}

</mosaic_0001>

<sc_bundles>
// kernel: sparse-core-data-format-call.cloned.1.call-start
scs
called_computation_lowered:
.L_overlay_start_0:
0x0: {  	s2 =	sld [smem:$0x3FD9]  }
0x1: {  	s3 =	sld [smem:$0x3FFE];
	_ =	sdelay $0x1  }
0x2: {  	s1 =	srdreg.scid  }
0x3: {  	s0 =	sand.u32 $0x1, s1  }
0x4: {  	s18 =	sshll.u32 s0, $0xA;
	s2 =	sadd.s32 s3, s2  }
0x5: {  	s2 =	sadd.s32 s2, s18  }
0x6: {  	[smem:$0x3FC6] =	sst s2  }
0x7: {  	_ = 	snop  }
0x8: {  	s2 =	sld [smem:$0x3FD0];
	(tm) =	ssettm $0x1  }
0x9: {  	s19 =	sld [smem:$0x3FFB];
	_ =	sdelay $0x3  }
0xa: {  	_ =	strace s19  }
0xb: {  	s3 =	sld [smem:$0x3FFC];
	_ =	sdelay $0x3  }
0xc: {  	_ =	strace s3  }
0xd: {  	s3 =	sld [smem:$0x3FFD];
	_ =	sdelay $0x3  }
0xe: {  	_ =	strace s3  }
0xf: {  	_ =	strace $0x8FFFFFFF  }
0x10: {  	s20 =	sld [smem:$0x3FDB];
	_ =	sdelay $0x1  }
0x11: {  	s4 =	simm.s32 $_scs_section_size  }
0x12: {  	s5 =	simm.s32 $_size__tile_overlayer_lowered;
	s6 =	simm.s32 $_tile_overlayer_lowered  }
0x13: {  	s23 =	simm.s32 $0x1BFF;
	s22 =	sshll.u32 s6, $0x1;
	s3 =	sadd.s32 s4, s20  }
0x14: {  	s7 =	simm.s32 $0x0;
	s21 =	sshll.u32 s5, $0x1;
	s5 =	sadd.s32 s22, s3  }
0x15: {  	[timem:s7], [sflag:s23] =	dma.local [hbm:s5], s21  }
0x16: {  	_ =	swait.ge [sflag:s23], s21  }
0x17: {  	s4 =	ssub.s32 $0x0, s21;
	[sflag:s23] =	ssyncset.done $0x0  }
0x18: {  	[sflag:s23] =	ssyncadd.s32 s4;
	_ =	sdelay $0x1  }
0x19: {  	s24 =	simm.s32 $0x1B8B  }
0x1a: {  	_ =	swait.ge [sflag:s24], $0x1  }
0x1b: {  	[sflag:s24] =	ssyncset.done $0x0  }
0x1c: {  	s26 =	simm.s32 $0x1B8E;
	s25 =	sld [smem:$0x3FFE];
	[sflag:s24] =	ssyncadd.s32 $0xFFFFFFFF  }
0x1d: {  	s27 =	simm.s32 $execute0_lowered;
	[smem:$0x3FD2] =	sst s26  }
0x1e: {  	s5 =	sshll.u32 s27, $0x1;
	_ =	strace $0x80000046;
	[dreg:$0x1] =	wrdreg $0xFFFFFFFF  }
0x1f: {  	s28 =	simm.s32 $_size_execute0_lowered;
	s3 =	sadd.s32 s3, s5;
	[dreg:$0x0] =	wrdreg $0x0  }
0x20: {  	s5 =	sshll.u32 s28, $0x1;
	[dreg:$0x2] =	wrdreg s3  }
0x21: {  	[dreg:$0x3] =	wrdreg s5  }
0x22: {  	[dreg:$0x4] =	wrdreg $0xC0  }
0x23: {  	_ =	task [dreg:s7], $0x5FFFF  }
0x24: {  	[dreg:$0x1] =	wrdreg $0xFFFFFFFF  }
0x25: {  	[dreg:$0x0] =	wrdreg $0x60  }
0x26: {  	[dreg:$0x2] =	wrdreg s25  }
0x27: {  	[dreg:$0x3] =	wrdreg s2  }
0x28: {  	[dreg:$0x4] =	wrdreg $0x9  }
0x29: {  	_ =	task.clear_ibuf [dreg:s7], $0x5FFFF;
	_ =	strace $0x90000046  }
0x2a: {  	s29 =	simm.s32 $0x9;
	_ =	strace $0x80000048  }
0x2b: {  	_ =	swait.ge [sflag:s29], $0x1  }
0x2c: {  	[sflag:s29] =	ssyncadd.s32 $0xFFFFFFFF  }
0x2d: {  	_ =	strace $0x90000048  }
0x2e: {  	_ =	sfence  }
0x2f: {  	s30 =	sld [smem:$0x0];
	_ =	sdelay $0x2  }
0x30: {  	s31 =	sshll.u32 s1, $0xD;
	s1 =	sshrl.u32 s1, $0x2  }
0x31: {  	s3 =	sand.u32 $0x4000, s31;
	s1 =	sadd.s32 s1, s30  }
0x32: {  	s0 =	sor.u32 s3, s0;
	s1 =	sshll.u32 s1, $0x11  }
0x33: {  	s0 =	sor.u32 s1, s0  }
0x34: {  	s0 =	sadd.s32 $0x8F2B, s0  }
0x35: {  	[sflag:s0] =	ssyncadd.remote.s32 $0x1  }
0x36: {  	_ =	sfence.sel $0xFFFF  }
0x37: {  	[dreg:$0x0] =	wrdreg $0xFFFFFFFF;
	(pc) =	sbr.abs _section_cstart, $3  }
0x38: {  	[dreg:$0x1] =	wrdreg $0xFFFFFFFF  }
0x39: {  	_ =	task.clear_ibuf [dreg:s7], $0x2FFFF;
	_ =	strace $0x9FFFFFFF  }
0x3a: {  	(tm) =	ssettm $0x7FFFFFFF  }
0x3b: {  	_ =	shalt  }
tec
execute0_lowered:
.L_overlay_start_1:
0x0: {  	(tag) =	ssettag $0x1  }
0x1: {  	s0 =	rddreg [dreg:$0x0];
	s1 =	srdreg.scid  }
0x2: {  	_ =	strace $0x80000047;
	s30 =	stileid.u32;
	s2 =	simm.s32 $0x1  }
0x3: {  	s31 =	simm.s32 $0x2;
	s17 =	simm.s32 $0x0;
	p0 =	por $0x0, $0x0  }
0x4: {  	s15 =	simm.s32 $0x0;
	s16 =	simm.s32 $0x0;
	s14 =	simm.s32 $0x0  }
.Ltmp0:
0x5: {  	s9 =	simm.s32 $0x0;
	s10 =	simm.s32 $0x0;
	(pc) =	sbr.rel .LBB1_1-.Ltmp0, $4  }
0x6: {  	s11 =	simm.s32 $0x0;
	s12 =	simm.s32 $0x0;
	s29 =	sshll.u32 s1, $0x4  }
0x7: {  	s8 =	simm.s32 $0x0;
	s6 =	sadd.s32 $0x24C400, s0;
	s0 =	sand.u32 $0x10, s29  }
0x8: {  	[sflag:s2] =	ssyncpa.u1 $0x0;
	[dreg:$0x3] =	wrdreg s6;
	s7 =	sor.u32 s30, s0  }
0x9: {  	[sflag:s31] =	ssyncpa.u1 $0x0;
	s13 =	smov.u32 s7;
	[dreg:$0x4] =	wrdreg s7  }
.LBB1_13:
0xa: {  	s1 =	rddreg [dreg:$0x9]  }
0xb: {  	s25 =	rddreg [dreg:$0xa]  }
0xc: {  	p1 =	sgt.s32 s9, $0x80;
	s0 =	smov.u32 s9;
	s3 =	rddreg [dreg:$0x7]  }
0xd: {  	s2 =	sshrl.u32 s9, $0x5;
	s4 =	rddreg [dreg:$0x8];
	s0 =	simm.s32 @!p1 $0x80  }
0xe: {  	s27 =	smul.u32 $0x18800, s10;
	s14 =	rddreg [dreg:$0x5];
	s0 =	sadd.s32 s1, s0  }
0xf: {  	s2 =	sand.u32 $0xFFFFFC, s2;
	s28 =	smul.u32 $0x700, s14;
	s1 =	sadd.s32 $0xFFFFFF80, s0  }
0x10: {  	s26 =	smulhi.u32 $0x4924925, s2;
	s0 =	ssub.s32 $0x100, s0;
	p1 =	sgt.s32 s1, $0x7F  }
0x11: {  	s5 =	sshrl.u32 s9, $0x3;
	s1 =	smul.u32 $0x2040, s25;
	s0 =	simm.s32 @p1 $0x0  }
0x12: {  	s6 =	rddreg [dreg:$0x1];
	s29 =	sand.u32 $0x7, s9;
	s0 =	smul.u32 s0, s3  }
0x13: {  	s31 =	simm.s32 $0x800;
	s7 =	rddreg [dreg:$0x4];
	s3 =	smul.u32 $0x38, s26  }
0x14: {  	s17 =	rddreg [dreg:$0x6];
	s5 =	sand.u32 $0xF, s5;
	s0 =	smul.u32 s4, s0  }
0x15: {  	s1 =	sor.u32 $0x4000, s1;
	s2 =	ssub.s32 s2, s3;
	s4 =	sadd.s32 s6, s27  }
0x16: {  	s6 =	rddreg [dreg:$0x3];
	s3 =	sadd.s32 s28, s4;
	s0 =	smul.u32 $0x38, s0  }
0x17: {  	s2 =	sshll.u32 s2, $0x5;
	s4 =	sshll.u32 s29, $0x12;
	s3 =	sadd.s32 s5, s3  }
0x18: {  	s30 =	sor.u32 $0x400, s4;
	s2 =	sadd.s32 s2, s3;
	s0 =	sand.u32 $0x3FFFFFF8, s0  }
0x19: {  	[hbm4b:s2+s30] =	stream.strided.scatter [tilespmem:s1], [sflag:$0x2], s0, s31, s30, $0x20;
	[tilespmem:$0x8080] =	vst v63  }
.LBB1_14:
0x1a: {  	p1 =	slt.u32 s8, $0x2  }
0x1b: {  	p2 =	sgt.s32 @!p1 s16, $0x1F  }
0x1c: {  	s0 =	smov.u32 s16;
	s1 =	sshra.s32 @!p1 s16, $0x1F;
	p2 =	por !p2, p1  }
0x1d: {  	s1 =	sand.u32 @!p1 s1, s16;
	s0 =	simm.s32 @p2 $0x1F  }
0x1e: {  	s0 =	ssub.s32 @!p1 s0, s1  }
0x1f: {  	s3 =	smov.u32 s17;
	p3 =	sgt.s32 @!p1 s15, $0x80;
	s1 =	sadd.s32 @!p1 $0xFFFFFFE1, s0  }
0x20: {  	p3 =	por !p3, p1;
	p2 =	sgt.s32 @!p1 s1, $0x0;
	s1 =	smov.u32 s15  }
0x21: {  	s2 =	sshra.s32 @!p1 s15, $0x1F;
	s1 =	simm.s32 @p3 $0x80;
	p3 =	sgt.s32 @!p1 s17, $0x37  }
0x22: {  	s4 =	sshra.s32 @!p1 s17, $0x1F;
	s2 =	sand.u32 @!p1 s2, s15;
	p3 =	por !p3, p1  }
0x23: {  	s4 =	sand.u32 @!p1 s4, s17;
	s1 =	ssub.s32 @!p1 s1, s2;
	s3 =	simm.s32 @p3 $0x37  }
0x24: {  	s0 =	ssub.s32 @!p1 $0x20, s0;
	s2 =	ssub.s32 @!p1 s3, s4;
	s3 =	sadd.s32 @!p1 $0xFFFFFF80, s1  }
0x25: {  	s0 =	smul.u32 @!p1 $0x38, s0;
	p2 =	por !p2, p1;
	p3 =	sgt.s32 @!p1 s3, $0x7F  }
0x26: {  	s1 =	ssub.s32 @!p1 $0x100, s1;
	s4 =	sadd.s32 @!p1 $0xFFFFFFC9, s2;
	p3 =	por !p3, p1  }
0x27: {  	s0 =	simm.s32 @!p2 $0x0;
	s1 =	simm.s32 @!p3 $0x0;
	p3 =	sgt.s32 @!p1 s4, $0x0  }
0x28: {  	s2 =	ssub.s32 @!p1 $0x38, s2;
	p2 =	por !p3, p1;
	s0 =	smul.u32 @!p1 s1, s0  }
0x29: {  	s3 =	smov.u32 s12;
	s1 =	sadd.s32 $0x1, s11;
	s2 =	simm.s32 @!p2 $0x0  }
0x2a: {  	p2 =	sgt.s32 s1, $0x37;
	s0 =	smul.u32 @!p1 s2, s0;
	s2 =	sadd.s32 $0x80, s12  }
0x2b: {  	s3 =	smov.u32 @p2 s2  }
0x2c: {  	s5 =	smov.u32 s13;
	s2 =	sadd.s32 $0x20, s13;
	p3 =	sgt.s32 s3, $0xBF  }
0x2d: {  	s8 =	sadd.s32 $0x1, s8;
	p0 =	por !p0, !p0;
	s5 =	smov.u32 @p3 s2  }
0x2e: {  	s16 =	smov.u32 s10;
	s1 =	simm.s32 @p2 $0x0;
	p2 =	sgt.s32 s5, $0x1F  }
0x2f: {  	s10 =	smov.u32 s13;
	s5 =	smov.u32 @p2 s7;
	p2 =	sne.s32 s8, $0x72  }
.Ltmp1:
0x30: {  	s15 =	smov.u32 s9;
	s9 =	smov.u32 s12;
	(pc) =	sbr.rel @!p2 .LBB1_15-.Ltmp1, $4  }
0x31: {  	s17 =	smov.u32 s14;
	s4 =	simm.s32 @!p1 $0x2;
	s0 =	sand.u32 @!p1 $0x3FFFFFF8, s0  }
0x32: {  	s14 =	smov.u32 s11;
	s11 =	smov.u32 s1;
	_ =	swait.ge @!p1 [sflag:s4], s0  }
0x33: {  	s0 =	ssub.s32 @!p1 $0x0, s0;
	s3 =	simm.s32 @p3 $0x0;
	[sflag:s4] =	ssyncset.done @!p1 $0x0  }
0x34: {  	s12 =	smov.u32 s3;
	[sflag:s4] =	ssyncadd.s32 @!p1 s0;
	s13 =	smov.u32 s5  }
.LBB1_1:
0x35: {  	p1 =	sgt.u32 s8, $0x6F  }
0x36: {  	s1 =	smov.u32 s13;
	s4 =	smov.u32 s12;
	p2 =	sgt.s32 @!p1 s13, $0x1F  }
0x37: {  	s0 =	sand.u32 @!p1 $0x1FFFFFF, s11;
	s3 =	sshra.s32 @!p1 s13, $0x1F;
	p2 =	por !p2, p1  }
0x38: {  	s5 =	sshra.s32 @!p1 s12, $0x1F;
	s1 =	simm.s32 @p2 $0x1F;
	p2 =	sgt.s32 @!p1 s12, $0x40  }
0x39: {  	s2 =	smulhi.u32 @!p1 $0x4924925, s0;
	s3 =	sand.u32 @!p1 s3, s13;
	p2 =	por !p2, p1  }
0x3a: {  	s5 =	sand.u32 @!p1 s5, s12;
	s1 =	ssub.s32 @!p1 s1, s3;
	s4 =	simm.s32 @p2 $0x40  }
0x3b: {  	p2 =	sgt.s32 @!p1 s11, $0x37;
	s1 =	sadd.s32 @!p1 $0xFFFFFFE1, s1;
	s3 =	ssub.s32 @!p1 s4, s5  }
0x3c: {  	p2 =	por !p2, p1;
	s5 =	smov.u32 s11;
	s4 =	sadd.s32 @!p1 $0xFFFFFFC0, s3  }
0x3d: {  	s5 =	simm.s32 @p2 $0x37;
	p3 =	sgt.s32 @!p1 s4, $0x7F;
	s4 =	sshra.s32 @!p1 s11, $0x1F  }
0x3e: {  	p2 =	sgt.s32 @!p1 s1, $0x0;
	s1 =	sshll.u32 @!p1 s1, $0x6;
	s4 =	sand.u32 @!p1 s4, s11  }
0x3f: {  	s3 =	ssub.s32 @!p1 $0xC0, s3;
	s1 =	ssub.s32 @!p1 $0x40, s1;
	s4 =	ssub.s32 @!p1 s5, s4  }
0x40: {  	p2 =	por !p2, p1;
	p3 =	por !p3, p1;
	s5 =	sadd.s32 @!p1 $0xFFFFFFC9, s4  }
0x41: {  	s1 =	simm.s32 @!p2 $0x0;
	s3 =	simm.s32 @!p3 $0x0;
	p3 =	sgt.s32 @!p1 s5, $0x0  }
0x42: {  	s4 =	ssub.s32 @!p1 $0x38, s4;
	s1 =	smul.u32 @!p1 s3, s1;
	p2 =	por !p3, p1  }
0x43: {  	s2 =	smul.u32 @!p1 $0x38, s2;
	s4 =	simm.s32 @!p2 $0x0  }
0x44: {  	s1 =	smul.u32 @!p1 s4, s1  }
0x45: {  	s4 =	smul.u32 @!p1 $0x2A000, s13  }
0x46: {  	s0 =	ssub.s32 @!p1 s0, s2;
	s3 =	sxor.u32 @!p1 $0xFFFFFFFF, s8;
	s5 =	smul.u32 @!p1 $0x380, s12  }
0x47: {  	s0 =	sshll.u32 @!p1 s0, $0x4;
	s3 =	sshll.u32 @!p1 s3, $0xD;
	s2 =	sadd.s32 @!p1 s6, s4  }
0x48: {  	s3 =	sand.u32 @!p1 $0x2000, s3;
	s1 =	sand.u32 @!p1 $0x3FFFFFC0, s1;
	s2 =	sadd.s32 @!p1 s5, s2  }
0x49: {  	s4 =	simm.s32 @!p1 $0x1C00;
	s0 =	sadd.s32 @!p1 s0, s2;
	s2 =	simm.s32 @!p1 $0x40  }
0x4a: {  	[tilespmem:s3], [sflag:$0x1] =	stream.strided.gather @!p1 [hbm4b:s0+s2], s1, s4, s2, $0x38;
	[tilespmem:$0x8080] =	vst v63  }
0x4b: {  	p1 =	seq.s32 s8, $0x0  }
0x4c: {  	p2 =	seq.s32 @!p1 s8, $0x71  }
0x4d: {  	p1 =	por p1, p2  }
.Ltmp2:
0x4e: {  	_ = 	snop;
	(pc) =	sbr.rel @p1 .LBB1_14-.Ltmp2, $1  }
0x4f: {  	_ =	sdelay $0x3  }
0x50: {  	p1 =	sgt.s32 s10, $0x1F  }
0x51: {  	s0 =	smov.u32 s10;
	s1 =	sshra.s32 s10, $0x1F;
	s25 =	ssub.s32 $0x0, s9  }
0x52: {  	s2 =	sshra.s32 s9, $0x1F;
	p2 =	sgt.s32 s14, $0x37;
	s3 =	smov.u32 s14  }
0x53: {  	s4 =	sshra.s32 s14, $0x1F;
	p3 =	sgt.s32 s9, $0x40;
	s5 =	smov.u32 s9  }
0x54: {  	s0 =	simm.s32 @!p1 $0x1F;
	s1 =	sand.u32 s1, s10;
	s3 =	simm.s32 @!p2 $0x37  }
0x55: {  	s4 =	sand.u32 s4, s14;
	s2 =	sand.u32 s25, s2;
	s5 =	simm.s32 @!p3 $0x40  }
0x56: {  	s0 =	ssub.s32 s0, s1;
	s26 =	ssub.s32 s3, s4;
	[dreg:$0x9] =	wrdreg s2  }
0x57: {  	s27 =	sadd.s32 s2, s5;
	s2 =	sadd.s32 $0x1, s10;
	s1 =	sadd.s32 $0xFFFFFFE1, s0  }
0x58: {  	s4 =	ssub.s32 $0x20, s0;
	s28 =	sadd.s32 $0xFFFFFFC9, s26;
	s29 =	sadd.s32 $0xFFFFFFC0, s27  }
0x59: {  	p1 =	sgt.s32 s1, $0x0;
	p2 =	sgt.s32 s28, $0x0;
	s1 =	ssub.s32 $0x38, s26  }
0x5a: {  	s0 =	ssub.s32 $0xC0, s27;
	s4 =	simm.s32 @p1 $0x0;
	s1 =	simm.s32 @p2 $0x0  }
0x5b: {  	p1 =	sgt.s32 s29, $0x7F;
	[dreg:$0x8] =	wrdreg s1;
	s1 =	smul.u32 s4, s1  }
0x5c: {  	s3 =	sadd.s32 $0x80, s9;
	s0 =	simm.s32 @p1 $0x0;
	p1 =	slt.s32 s2, $0x20  }
0x5d: {  	s2 =	simm.s32 @!p1 $0x20;
	p1 =	slt.s32 s3, $0xC0;
	s0 =	smul.u32 s0, s1  }
0x5e: {  	s20 =	ssub.s32 s2, s10;
	s3 =	simm.s32 @!p1 $0xC0;
	s1 =	sadd.s32 $0x1, s14  }
0x5f: {  	s21 =	ssub.s32 s3, s9;
	p2 =	slt.s32 s1, $0x38;
	p1 =	slt.s32 s20, $0x1  }
0x60: {  	s1 =	simm.s32 @!p2 $0x38;
	p2 =	slt.s32 @!p1 s21, $0x1  }
0x61: {  	s23 =	ssub.s32 s1, s14;
	p2 =	por p1, p2  }
0x62: {  	p3 =	slt.s32 @!p2 s23, $0x1  }
0x63: {  	[dreg:$0x6] =	wrdreg s17;
	p2 =	por p2, p3  }
.Ltmp3:
0x64: {  	[dreg:$0x5] =	wrdreg s14;
	s0 =	sshll.u32 s0, $0x6;
	(pc) =	sbr.rel @p2 .LBB1_13-.Ltmp3, $4  }
0x65: {  	s30 =	simm.s32 $0x1;
	[dreg:$0x7] =	wrdreg s4;
	s0 =	sand.u32 $0x3FFFFFC0, s0  }
0x66: {  	_ =	swait.ge [sflag:s30], s0  }
0x67: {  	s31 =	sand.u32 $0x1, s8;
	s0 =	ssub.s32 $0x0, s0;
	[sflag:s30] =	ssyncset.done $0x0  }
0x68: {  	[dreg:$0xa] =	wrdreg s31;
	[sflag:s30] =	ssyncadd.s32 s0  }
0x69: {  	s0 =	simm.s32 $0x1  }
0x6a: {  	s0 =	simm.s32 @!p0 $0x0  }
0x6b: {  	s0 =	smul.u32 $0x8100, s0  }
.Ltmp4:
0x6c: {  	_ = 	snop;
	(pc) =	sbr.rel .LBB1_4-.Ltmp4, $4  }
0x6d: {  	_ = 	snop  }
0x6e: {  	s0 =	sshrl.u32 s0, $0x2  }
0x6f: {  	s24 =	sor.u32 $0x4000, s0;
	s0 =	rddreg [dreg:$0xa]  }
0x70: {  	s26 =	simm.s32 $0x0;
	s25 =	sshll.u32 @!p1 s0, $0xD  }
.LBB1_12:
0x71: {  	s26 =	sadd.s32 $0x1, s26  }
0x72: {  	p1 =	sne.s32 s26, s20  }
.Ltmp5:
0x73: {  	_ = 	snop;
	(pc) =	sbr.rel @!p1 .LBB1_13-.Ltmp5, $2  }
0x74: {  	_ =	sdelay $0x2  }
0x75: {  	s24 =	sadd.s32 $0x2040, s24  }
.LBB1_4:
0x76: {  	s0 =	sshll.u32 s26, $0xF;
	s28 =	simm.s32 $0x800  }
0x77: {  	s29 =	simm.s32 $0x1800;
	s30 =	simm.s32 $0x0;
	s0 =	sshra.s32 s0, $0x2  }
0x78: {  	s31 =	simm.s32 $0x0;
	s27 =	sadd.s32 s0, s25;
	s0 =	simm.s32 $0x0  }
.LBB1_5:
0x79: {  	s1 =	sshrl.u32 s30, $0xA;
	s2 =	sshll.u32 s0, $0x8  }
0x7a: {  	s3 =	sshrl.u32 s28, $0xA;
	s4 =	sshrl.u32 s29, $0xA;
	s2 =	sshra.s32 s2, $0x2  }
0x7b: {  	s5 =	sshrl.u32 s0, $0x4;
	s1 =	sand.u32 $0x7, s1;
	s2 =	sadd.s32 s2, s27  }
0x7c: {  	s14 =	sand.u32 $0x7F, s31;
	s3 =	sand.u32 $0x7, s3;
	s1 =	smul.u32 $0x1020, s1;
	v0 =	vmov s2  }
0x7d: {  	s6 =	sand.u32 $0x7, s4;
	s7 =	sand.u32 $0x38, s5;
	s3 =	smul.u32 $0x1020, s3  }
0x7e: {  	s17 =	simm.s32 $0x0;
	s6 =	smul.u32 $0x1020, s6;
	s18 =	sxor.u32 $0x20, s7  }
0x7f: {  	p2 =	sne.s32 s23, $0x1;
	p1 =	por $0x0, $0x0;
	s4 =	smul.u32 $0x204, s18  }
.Ltmp6:
0x80: {  	s17 =	sand.u32 $0x1C0, s17;
	s18 =	sshll.u32 s14, $0x2;
	(pc) =	sbr.rel @!p2 .LBB1_6-.Ltmp6, $4  }
0x81: {  	s1 =	sshrl.u32 s1, $0x2;
	s19 =	sshrl.u32 s3, $0x2;
	s22 =	sshrl.u32 s6, $0x2;
	v7 =	vld.idx.msk [tilespmem:v0+s17+$0x30 ss:$0x1], $0xffff  }
0x82: {  	s6 =	sshrl.u32 s18, $0x2;
	s2 =	sadd.s32 s1, s24;
	s4 =	sshrl.u32 s4, $0x2;
	v8 =	vld.idx.msk [tilespmem:v0+s17+$0x0 ss:$0x1], $0xffff  }
0x83: {  	s5 =	sadd.s32 s19, s24;
	s1 =	sadd.s32 s22, s24;
	s19 =	sadd.s32 s4, s24;
	v6 =	vld.idx.msk [tilespmem:v0+s17+$0x10 ss:$0x1], $0xffff  }
0x84: {  	s4 =	sadd.s32 $0xFFFFFFFF, s23;
	s3 =	sadd.s32 s6, s1;
	v5 =	vld.idx.msk [tilespmem:v0+s17+$0x20 ss:$0x1], $0xffff;
	s17 =	simm.s32 $0x40  }
0x85: {  	_ =	sdelay $0x1  }
0x86: {  	p2 =	sne.s32 s4, $0x1  }
.Ltmp7:
0x87: {  	s18 =	sand.u32 $0x1C0, s17;
	(pc) =	sbr.rel @!p2 .LBB1_8-.Ltmp7, $4  }
0x88: {  	s22 =	sadd.s32 s6, s2;
	s7 =	sadd.s32 s6, s5;
	v1 =	vld.idx.msk [tilespmem:v0+s18+$0x30 ss:$0x1], $0xffff;
	[tilespmem:s3+$0x0 ss:$0x81] =	vst.msk $0xffff, v7  }
0x89: {  	s17 =	sadd.s32 $0xFFFFFFFF, s4;
	s14 =	sadd.s32 s6, s19;
	s2 =	sadd.s32 $0x2040, s2;
	v2 =	vld.idx.msk [tilespmem:v0+s18+$0x0 ss:$0x1], $0xffff;
	[tilespmem:s22+$0x0 ss:$0x81] =	vst.msk $0xffff, v8  }
0x8a: {  	p1 =	por $0x1, $0x1;
	s4 =	smov.u32 s5;
	v3 =	vld.idx.msk [tilespmem:v0+s18+$0x10 ss:$0x1], $0xffff;
	s22 =	sadd.s32 $0x2040, s1;
	[tilespmem:s7+$0x0 ss:$0x81] =	vst.msk $0xffff, v6  }
0x8b: {  	v4 =	vld.idx.msk [tilespmem:v0+s18+$0x20 ss:$0x1], $0xffff;
	s18 =	simm.s32 $0x80;
	s1 =	smov.u32 s19;
	s3 =	sadd.s32 s6, s22;
	[tilespmem:s14+$0x0 ss:$0x81] =	vst.msk $0xffff, v5  }
.LBB1_9:
0x8c: {  	s14 =	sand.u32 $0x1C0, s18;
	p2 =	sne.s32 s17, $0x1;
	s17 =	sadd.s32 $0xFFFFFFFF, s17  }
.Ltmp8:
0x8d: {  	s7 =	sadd.s32 s6, s2;
	s4 =	sadd.s32 $0x2040, s4;
	[tilespmem:s3+$0x0 ss:$0x81] =	vst.msk $0xffff, v1;
	v1 =	vld.idx.msk [tilespmem:v0+s14+$0x30 ss:$0x1], $0xffff;
	(pc) =	sbr.rel @p2 .LBB1_9-.Ltmp8, $4  }
0x8e: {  	s1 =	sadd.s32 $0x2040, s1;
	s3 =	sadd.s32 s6, s4;
	[tilespmem:s7+$0x0 ss:$0x81] =	vst.msk $0xffff, v2;
	v2 =	vld.idx.msk [tilespmem:v0+s14+$0x0 ss:$0x1], $0xffff  }
0x8f: {  	[tilespmem:s3+$0x0 ss:$0x81] =	vst.msk $0xffff, v3;
	v3 =	vld.idx.msk [tilespmem:v0+s14+$0x10 ss:$0x1], $0xffff;
	s3 =	sadd.s32 s6, s1  }
0x90: {  	s22 =	sadd.s32 $0x2040, s22;
	[tilespmem:s3+$0x0 ss:$0x81] =	vst.msk $0xffff, v4;
	v4 =	vld.idx.msk [tilespmem:v0+s14+$0x20 ss:$0x1], $0xffff  }
0x91: {  	s18 =	sadd.s32 $0x40, s18;
	s2 =	sadd.s32 $0x2040, s2;
	s3 =	sadd.s32 s6, s22  }
0x92: {  	_ =	sdelay $0x2  }
0x93: {  	v7 =	vmovc v1;
	v8 =	vmov v2;
	v6 =	vmov v3;
	v5 =	vmov v4  }
.LBB1_11:
0x94: {  	s4 =	sadd.s32 @p1 $0x2040, s4;
	s1 =	sadd.s32 @p1 $0x2040, s1;
	s0 =	sadd.s32 $0x1, s0  }
0x95: {  	s5 =	smov.u32 @p1 s4;
	s19 =	smov.u32 @p1 s1;
	p1 =	sne.s32 s0, s21  }
.Ltmp9:
0x96: {  	_ = 	snop;
	(pc) =	sbr.rel @p1 .LBB1_5-.Ltmp9, $4  }
.Ltmp10:
0x97: {  	s2 =	sadd.s32 s6, s2;
	[tilespmem:s3+$0x0 ss:$0x81] =	vst.msk $0xffff, v7;
	(pc) =	sbr.rel @!p1 .LBB1_12-.Ltmp10, $4  }
0x98: {  	[tilespmem:s2+$0x0 ss:$0x81] =	vst.msk $0xffff, v8;
	s22 =	sadd.s32 s6, s5  }
0x99: {  	s31 =	sadd.s32 $0x1, s31;
	s1 =	sadd.s32 s6, s19;
	[tilespmem:s22+$0x0 ss:$0x81] =	vst.msk $0xffff, v6  }
0x9a: {  	s30 =	sadd.s32 $0x8, s30;
	s28 =	sadd.s32 $0x8, s28;
	s29 =	sadd.s32 $0x8, s29;
	[tilespmem:s1+$0x0 ss:$0x81] =	vst.msk $0xffff, v5  }
0x9b: {  	_ = 	snop  }
.LBB1_6:
.Ltmp11:
0x9c: {  	(pc) =	sbr.rel .LBB1_11-.Ltmp11, $2  }
0x9d: {  	_ =	sdelay $0x2  }
0x9e: {  	s4 =	smov.u32 s5;
	s1 =	smov.u32 s19  }
.LBB1_8:
.Ltmp12:
0x9f: {  	_ = 	snop;
	(pc) =	sbr.rel .LBB1_11-.Ltmp12, $2  }
0xa0: {  	_ =	sdelay $0x2  }
0xa1: {  	s4 =	smov.u32 s5;
	s1 =	smov.u32 s19;
	v7 =	vmovc v1;
	v8 =	vmov v2;
	v6 =	vmov v3;
	v5 =	vmov v4  }
.LBB1_15:
0xa2: {  	_ =	sfence.sel $0x180000  }
0xa3: {  	s0 =	simm.s32 $0x1;
	[bflag:$0x0] =	sbarrier.arrive $0xFFFF  }
0xa4: {  	s30 =	simm.s32 $0x2;
	[sflag:s0] =	ssyncpa.u1 $0x1  }
0xa5: {  	[sflag:s30] =	ssyncpa.u1 $0x1  }
0xa6: {  	_ =	strace $0x90000047  }
0xa7: {  	s31 =	stileid.u32;
	[bflag:$0x2] =	sbarrier.arrive $0xFFFF  }
0xa8: {  	p0 =	sne.s32 s31, $0x0;
	s0 =	rddreg [dreg:$0x2]  }
0xa9: {  	s0 =	sadd.s32 @!p0 $0x100000, s0  }
0xaa: {  	[sflag:s0] =	ssyncadd.tile.s32 @!p0 $0x1;
	_ =	shalt  }
.Lfunc_end1:
_tile_overlayer_lowered:
.L_overlay_start_2:
0xab: {  	(tag) =	ssettag $0x2  }
0xac: {  	s0 =	rddreg [dreg:$0x0];
	s2 =	stileid.u32  }
0xad: {  	s1 =	rddreg [dreg:$0x1];
	p0 =	sne.s32 s2, $0x0  }
0xae: {  	s3 =	rddreg [dreg:$0x2];
	[bflag:$0x3] =	sbarrier.arrive $0xFFFF;
	s2 =	simm.s32 @!p0 $0x1C01  }
0xaf: {  	[timem:s3], [sflag:s2] =	dma.local @!p0 [hbm:s0], s1  }
0xb0: {  	s0 =	simm.s32 @!p0 $0x1  }
0xb1: {  	_ =	swait.ge @!p0 [sflag:s0], s1  }
0xb2: {  	s1 =	ssub.s32 @!p0 $0x0, s1;
	[sflag:s0] =	ssyncset.done @!p0 $0x0  }
0xb3: {  	[sflag:s0] =	ssyncadd.s32 @!p0 s1  }
0xb4: {  	[bflag:$0x3] =	sbarrier.arrive $0xFFFF  }
0xb5: {  	_ =	shalt  }

</sc_bundles>
